<compile_context>
chip_gen: v7x
topology: tpu7x:2x2x1
jax: 0.10.2.dev20260603
libtpu: 0.0.44.dev20260713+nightly
codegen_flags: <defaults>
</compile_context>

<pallas_src>
import functools
import jax
import jax.numpy as jnp
from jax import lax
from jax.experimental import pallas as pl
from jax.experimental.pallas import tpu as pltpu
from jax.experimental.pallas import tpu_sc as plsc

_BLK = 8192
_HBLK = _BLK // 2
_DIM = 128
_HALF = 64

_C1 = -1.2337005501361697
_C2 = 0.25366950790104696
_S0 = 1.5707963267948966
_S1 = -0.6459640975062462
_S2 = 0.07969262624616703

_NC = 2
_NS = 16
_NW = _NC * _NS
_B = 32768
_BPW = _B // _NW
_CHUNK = 256


def _rope_kernel(pos_ref, freq_ref, cos_ref, sin_ref):
    pos_lo = pos_ref[0:_HBLK, :].astype(jnp.float32)
    pos_hi = pos_ref[_HBLK:_BLK, :].astype(jnp.float32)
    lane = lax.broadcasted_iota(jnp.int32, (_HBLK, _DIM), 1)
    posb = jnp.where(lane < _HALF, pos_lo, pos_hi)
    x = posb * freq_ref[0:1, :]
    k = jnp.round(x)
    t = x - k
    q = k.astype(jnp.int32)
    t2 = t * t
    cp = 1.0 + t2 * (_C1 + t2 * _C2)
    sp = t * (_S0 + t2 * (_S1 + t2 * _S2))
    swap = (q & 1) != 0
    c0 = jnp.where(swap, sp, cp)
    s0 = jnp.where(swap, cp, sp)
    sgn_c = ((q + 1) & 2) << 30
    sgn_s = (q & 2) << 30
    c = lax.bitcast_convert_type(
        lax.bitcast_convert_type(c0, jnp.int32) ^ sgn_c, jnp.float32)
    s = lax.bitcast_convert_type(
        lax.bitcast_convert_type(s0, jnp.int32) ^ sgn_s, jnp.float32)
    lo_mask = lane < _HALF
    cr = pltpu.roll(c, _HALF, 1)
    sr = pltpu.roll(s, _HALF, 1)
    cos_ref[0:_HBLK, :] = jnp.where(lo_mask, c, cr)
    cos_ref[_HBLK:_BLK, :] = jnp.where(lo_mask, cr, c)
    sin_ref[0:_HBLK, :] = jnp.where(lo_mask, s, sr)
    sin_ref[_HBLK:_BLK, :] = jnp.where(lo_mask, sr, s)


def _eval_tables(pos2d, freq):
    grid = (_B // _BLK,)
    return pl.pallas_call(
        _rope_kernel,
        grid=grid,
        in_specs=[
            pl.BlockSpec((_BLK, 1), lambda i: (i, 0)),
            pl.BlockSpec((1, _DIM), lambda i: (0, 0)),
        ],
        out_specs=[
            pl.BlockSpec((_BLK, _DIM), lambda i: (i, 0)),
            pl.BlockSpec((_BLK, _DIM), lambda i: (i, 0)),
        ],
        out_shape=[
            jax.ShapeDtypeStruct((_B, _DIM), jnp.float32),
            jax.ShapeDtypeStruct((_B, _DIM), jnp.float32),
        ],
        compiler_params=pltpu.CompilerParams(
            dimension_semantics=("parallel",),
        ),
    )(pos2d, freq)


@functools.partial(
    pl.kernel,
    out_type=[
        jax.ShapeDtypeStruct((_B, _DIM), jnp.float32),
        jax.ShapeDtypeStruct((_B, _DIM), jnp.float32),
    ],
    mesh=plsc.VectorSubcoreMesh(core_axis_name="c", subcore_axis_name="s"),
    scratch_types=[
        pltpu.VMEM((_CHUNK,), jnp.int32),
        pltpu.VMEM((_CHUNK, _DIM), jnp.float32),
        pltpu.VMEM((_CHUNK, _DIM), jnp.float32),
        pltpu.SemaphoreType.DMA,
        pltpu.SemaphoreType.DMA,
    ],
)
def _sc_gather(cos_hbm, sin_hbm, idx_hbm, cos_out, sin_out,
               idx_v, crows, srows, csem, ssem):
    wid = lax.axis_index("s") * _NC + lax.axis_index("c")
    base = wid * _BPW
    for j in range(_BPW // _CHUNK):
        off = base + j * _CHUNK
        pltpu.sync_copy(idx_hbm.at[pl.ds(off, _CHUNK)], idx_v)
        cg = pltpu.async_copy(cos_hbm.at[idx_v], crows, csem)
        sg = pltpu.async_copy(sin_hbm.at[idx_v], srows, ssem)
        cg.wait()
        sg.wait()
        pltpu.sync_copy(crows, cos_out.at[pl.ds(off, _CHUNK)])
        pltpu.sync_copy(srows, sin_out.at[pl.ds(off, _CHUNK)])


def kernel(position_ids, inv_freq):
    b, s = position_ids.shape
    fq = (inv_freq * (2.0 / jnp.pi)).astype(jnp.float32)
    freq = jnp.concatenate([fq, fq]).reshape(1, _DIM)
    trow = jnp.arange(_B, dtype=jnp.int32).reshape(_B, 1)
    cos_t, sin_t = _eval_tables(trow, freq)
    idx = position_ids.reshape(_B)
    cos, sin = _sc_gather(cos_t, sin_t, idx)
    return (cos.reshape(b, s, 1, _DIM), sin.reshape(b, s, 1, _DIM))

# --- scband reference (transcript-rebuilt; emitter-appended) ---
"""Pipeline reference for scband-rotary-embedding-30391188586756 (READ-ONLY COPY).

The authoritative reference and input builder live on the scoring server;
editing this copy changes nothing except your own understanding.
"""

import jax, jax.numpy as jnp
import numpy as np

HEAD_DIM = 128
THETA = 10000.0
CACHE_LEN = 32768  # covers max position id + 1
BATCH = 4
SEQ_LEN = 8192


def setup_inputs(seed: int = 0) -> dict:
    key = jax.random.key(seed)
    position_ids = jax.random.randint(key, (BATCH, SEQ_LEN), 0, CACHE_LEN, dtype=jnp.int32)
    inv_freq = jnp.asarray(1.0 / (THETA ** (np.arange(0, HEAD_DIM, 2, dtype=np.float32) / HEAD_DIM)), dtype=jnp.float32)
    return {"position_ids": position_ids, "inv_freq": inv_freq}


def reference(position_ids, inv_freq):
    # Build cos/sin cache (fixed length covering all position ids, mirroring the
    # on-demand cache in the torch module, which would have grown to >= max_pos).
    t = jnp.arange(CACHE_LEN, dtype=inv_freq.dtype)
    freqs = jnp.outer(t, inv_freq)                      # (CACHE_LEN, head_dim//2)
    emb = jnp.concatenate([freqs, freqs], axis=-1)      # (CACHE_LEN, head_dim)
    cos_table = jnp.cos(emb)
    sin_table = jnp.sin(emb)
    # Gather by position ids (embedding-style lookup), then unsqueeze(2)
    cos = jnp.expand_dims(jnp.take(cos_table, position_ids, axis=0), 2)  # (B, S, 1, D)
    sin = jnp.expand_dims(jnp.take(sin_table, position_ids, axis=0), 2)  # (B, S, 1, D)
    return (cos, sin)

if __name__ == "__main__":
    import jax
    _d = setup_inputs()
    print(jax.jit(kernel)(*tuple(_d.values())))

</pallas_src>

<mosaic_0001>
#map = affine_map<(d0, d1) -> (0, 0)>
#map1 = affine_map<(d0, d1) -> (0)>
module attributes {stable_mosaic.version = 14 : i64} {
  func.func @_sc_gather(%arg0: i32, %arg1: i32, %arg2: memref<32768x128xf32, #tpu.memory_space<hbm>>, %arg3: memref<32768x128xf32, #tpu.memory_space<hbm>>, %arg4: memref<32768xi32, #tpu.memory_space<hbm>>, %arg5: memref<32768x128xf32, #tpu.memory_space<hbm>>, %arg6: memref<32768x128xf32, #tpu.memory_space<hbm>>, %arg7: memref<256xi32, #tpu.memory_space<vmem>>, %arg8: memref<256x128xf32, #tpu.memory_space<vmem>>, %arg9: memref<256x128xf32, #tpu.memory_space<vmem>>, %arg10: memref<!tpu.dma_semaphore, #tpu.memory_space<semaphore_mem>>, %arg11: memref<!tpu.dma_semaphore, #tpu.memory_space<semaphore_mem>>) attributes {dimension_semantics = [#tpu.dimension_semantics<core_parallel>, #tpu.dimension_semantics<subcore_parallel>], iteration_bounds = array<i64: 2, 16>, scalar_prefetch = 0 : i64, scratch_operands = 5 : i64, tpu.core_type = #tpu.core_type<sc_vector_subcore>, window_params = [{transform_indices = #map}, {transform_indices = #map}, {transform_indices = #map1}, {transform_indices = #map}, {transform_indices = #map}]} {
    %mul3A = arith.constant 2 : i32
    %mul3A_0 = arith.muli %arg1, %mul3A : i32
    %add3A = arith.addi %mul3A_0, %arg0 : i32
    %mul3A_1 = arith.constant 1024 : i32
    %mul3A_2 = arith.muli %add3A, %mul3A_1 : i32
    %add3A_3 = arith.constant 0 : i32
    %add3A_4 = arith.addi %mul3A_2, %add3A_3 : i32
    "tpu.region"() ({
      %run_scoped3A = tpu.sem_alloc : memref<!tpu.dma_semaphore, #tpu.memory_space<semaphore_mem>>
      %dma_start3A_57 = tpu.memref_slice %arg4[%add3A_4] : memref<32768xi32, #tpu.memory_space<hbm>> -> memref<256xi32, #tpu.memory_space<hbm>>
      %dma_start3A_58 = tpu.memref_slice %arg4[%add3A_4] : memref<32768xi32, #tpu.memory_space<hbm>> -> memref<256xi32, #tpu.memory_space<hbm>>
      tpu.enqueue_dma source(%dma_start3A_58 : memref<256xi32, #tpu.memory_space<hbm>>) target(%arg7 : memref<256xi32, #tpu.memory_space<vmem>>) target_semaphore(%run_scoped3A : memref<!tpu.dma_semaphore, #tpu.memory_space<semaphore_mem>>)
      %dma_wait3A_59 = tpu.memref_slice %arg4[%add3A_4] : memref<32768xi32, #tpu.memory_space<hbm>> -> memref<256xi32, #tpu.memory_space<hbm>>
      %dma_wait3A_60 = tpu.memref_slice %arg4[%add3A_4] : memref<32768xi32, #tpu.memory_space<hbm>> -> memref<256xi32, #tpu.memory_space<hbm>>
      tpu.wait_dma2 semaphore(%run_scoped3A : memref<!tpu.dma_semaphore, #tpu.memory_space<semaphore_mem>>) src(%dma_wait3A_60 : memref<256xi32, #tpu.memory_space<hbm>>) dst(%arg7 : memref<256xi32, #tpu.memory_space<vmem>>)
      tpu.yield
    }) : () -> ()
    %dma_start3A = arith.constant 0 : i32
    %dma_start3A_5 = arith.constant 0 : i32
    %dma_start3A_6 = tpu.memref_slice %arg2[%dma_start3A, %dma_start3A_5] : memref<32768x128xf32, #tpu.memory_space<hbm>> -> memref<32768x128xf32, #tpu.memory_space<hbm>>
    tpu.enqueue_indirect_dma source(%dma_start3A_6 : memref<32768x128xf32, #tpu.memory_space<hbm>>) target(%arg8 : memref<256x128xf32, #tpu.memory_space<vmem>>) offsets(%arg7 : memref<256xi32, #tpu.memory_space<vmem>>) semaphore(%arg10 : memref<!tpu.dma_semaphore, #tpu.memory_space<semaphore_mem>>)
    %dma_start3A_7 = arith.constant 0 : i32
    %dma_start3A_8 = arith.constant 0 : i32
    %dma_start3A_9 = tpu.memref_slice %arg3[%dma_start3A_7, %dma_start3A_8] : memref<32768x128xf32, #tpu.memory_space<hbm>> -> memref<32768x128xf32, #tpu.memory_space<hbm>>
    tpu.enqueue_indirect_dma source(%dma_start3A_9 : memref<32768x128xf32, #tpu.memory_space<hbm>>) target(%arg9 : memref<256x128xf32, #tpu.memory_space<vmem>>) offsets(%arg7 : memref<256xi32, #tpu.memory_space<vmem>>) semaphore(%arg11 : memref<!tpu.dma_semaphore, #tpu.memory_space<semaphore_mem>>)
    %dma_wait3A = arith.constant 0 : i32
    %dma_wait3A_10 = arith.constant 0 : i32
    %dma_wait3A_11 = tpu.memref_slice %arg2[%dma_wait3A, %dma_wait3A_10] : memref<32768x128xf32, #tpu.memory_space<hbm>> -> memref<32768x128xf32, #tpu.memory_space<hbm>>
    tpu.wait_indirect_dma semaphore(%arg10 : memref<!tpu.dma_semaphore, #tpu.memory_space<semaphore_mem>>) src(%dma_wait3A_11 : memref<32768x128xf32, #tpu.memory_space<hbm>>) dst(%arg8 : memref<256x128xf32, #tpu.memory_space<vmem>>)
    %dma_wait3A_12 = arith.constant 0 : i32
    %dma_wait3A_13 = arith.constant 0 : i32
    %dma_wait3A_14 = tpu.memref_slice %arg3[%dma_wait3A_12, %dma_wait3A_13] : memref<32768x128xf32, #tpu.memory_space<hbm>> -> memref<32768x128xf32, #tpu.memory_space<hbm>>
    tpu.wait_indirect_dma semaphore(%arg11 : memref<!tpu.dma_semaphore, #tpu.memory_space<semaphore_mem>>) src(%dma_wait3A_14 : memref<32768x128xf32, #tpu.memory_space<hbm>>) dst(%arg9 : memref<256x128xf32, #tpu.memory_space<vmem>>)
    "tpu.region"() ({
      %run_scoped3A = tpu.sem_alloc : memref<!tpu.dma_semaphore, #tpu.memory_space<semaphore_mem>>
      %dma_start3A_57 = arith.constant 0 : i32
      %dma_start3A_58 = tpu.memref_slice %arg5[%add3A_4, %dma_start3A_57] : memref<32768x128xf32, #tpu.memory_space<hbm>> -> memref<256x128xf32, #tpu.memory_space<hbm>>
      %dma_start3A_59 = arith.constant 0 : i32
      %dma_start3A_60 = tpu.memref_slice %arg5[%add3A_4, %dma_start3A_59] : memref<32768x128xf32, #tpu.memory_space<hbm>> -> memref<256x128xf32, #tpu.memory_space<hbm>>
      tpu.enqueue_dma source(%arg8 : memref<256x128xf32, #tpu.memory_space<vmem>>) target(%dma_start3A_60 : memref<256x128xf32, #tpu.memory_space<hbm>>) target_semaphore(%run_scoped3A : memref<!tpu.dma_semaphore, #tpu.memory_space<semaphore_mem>>)
      %dma_wait3A_61 = arith.constant 0 : i32
      %dma_wait3A_62 = tpu.memref_slice %arg5[%add3A_4, %dma_wait3A_61] : memref<32768x128xf32, #tpu.memory_space<hbm>> -> memref<256x128xf32, #tpu.memory_space<hbm>>
      %dma_wait3A_63 = arith.constant 0 : i32
      %dma_wait3A_64 = tpu.memref_slice %arg5[%add3A_4, %dma_wait3A_63] : memref<32768x128xf32, #tpu.memory_space<hbm>> -> memref<256x128xf32, #tpu.memory_space<hbm>>
      tpu.wait_dma2 semaphore(%run_scoped3A : memref<!tpu.dma_semaphore, #tpu.memory_space<semaphore_mem>>) src(%arg8 : memref<256x128xf32, #tpu.memory_space<vmem>>) dst(%dma_wait3A_64 : memref<256x128xf32, #tpu.memory_space<hbm>>)
      tpu.yield
    }) : () -> ()
    "tpu.region"() ({
      %run_scoped3A = tpu.sem_alloc : memref<!tpu.dma_semaphore, #tpu.memory_space<semaphore_mem>>
      %dma_start3A_57 = arith.constant 0 : i32
      %dma_start3A_58 = tpu.memref_slice %arg6[%add3A_4, %dma_start3A_57] : memref<32768x128xf32, #tpu.memory_space<hbm>> -> memref<256x128xf32, #tpu.memory_space<hbm>>
      %dma_start3A_59 = arith.constant 0 : i32
      %dma_start3A_60 = tpu.memref_slice %arg6[%add3A_4, %dma_start3A_59] : memref<32768x128xf32, #tpu.memory_space<hbm>> -> memref<256x128xf32, #tpu.memory_space<hbm>>
      tpu.enqueue_dma source(%arg9 : memref<256x128xf32, #tpu.memory_space<vmem>>) target(%dma_start3A_60 : memref<256x128xf32, #tpu.memory_space<hbm>>) target_semaphore(%run_scoped3A : memref<!tpu.dma_semaphore, #tpu.memory_space<semaphore_mem>>)
      %dma_wait3A_61 = arith.constant 0 : i32
      %dma_wait3A_62 = tpu.memref_slice %arg6[%add3A_4, %dma_wait3A_61] : memref<32768x128xf32, #tpu.memory_space<hbm>> -> memref<256x128xf32, #tpu.memory_space<hbm>>
      %dma_wait3A_63 = arith.constant 0 : i32
      %dma_wait3A_64 = tpu.memref_slice %arg6[%add3A_4, %dma_wait3A_63] : memref<32768x128xf32, #tpu.memory_space<hbm>> -> memref<256x128xf32, #tpu.memory_space<hbm>>
      tpu.wait_dma2 semaphore(%run_scoped3A : memref<!tpu.dma_semaphore, #tpu.memory_space<semaphore_mem>>) src(%arg9 : memref<256x128xf32, #tpu.memory_space<vmem>>) dst(%dma_wait3A_64 : memref<256x128xf32, #tpu.memory_space<hbm>>)
      tpu.yield
    }) : () -> ()
    %add3A_15 = arith.constant 256 : i32
    %add3A_16 = arith.addi %mul3A_2, %add3A_15 : i32
    "tpu.region"() ({
      %run_scoped3A = tpu.sem_alloc : memref<!tpu.dma_semaphore, #tpu.memory_space<semaphore_mem>>
      %dma_start3A_57 = tpu.memref_slice %arg4[%add3A_16] : memref<32768xi32, #tpu.memory_space<hbm>> -> memref<256xi32, #tpu.memory_space<hbm>>
      %dma_start3A_58 = tpu.memref_slice %arg4[%add3A_16] : memref<32768xi32, #tpu.memory_space<hbm>> -> memref<256xi32, #tpu.memory_space<hbm>>
      tpu.enqueue_dma source(%dma_start3A_58 : memref<256xi32, #tpu.memory_space<hbm>>) target(%arg7 : memref<256xi32, #tpu.memory_space<vmem>>) target_semaphore(%run_scoped3A : memref<!tpu.dma_semaphore, #tpu.memory_space<semaphore_mem>>)
      %dma_wait3A_59 = tpu.memref_slice %arg4[%add3A_16] : memref<32768xi32, #tpu.memory_space<hbm>> -> memref<256xi32, #tpu.memory_space<hbm>>
      %dma_wait3A_60 = tpu.memref_slice %arg4[%add3A_16] : memref<32768xi32, #tpu.memory_space<hbm>> -> memref<256xi32, #tpu.memory_space<hbm>>
      tpu.wait_dma2 semaphore(%run_scoped3A : memref<!tpu.dma_semaphore, #tpu.memory_space<semaphore_mem>>) src(%dma_wait3A_60 : memref<256xi32, #tpu.memory_space<hbm>>) dst(%arg7 : memref<256xi32, #tpu.memory_space<vmem>>)
      tpu.yield
    }) : () -> ()
    %dma_start3A_17 = arith.constant 0 : i32
    %dma_start3A_18 = arith.constant 0 : i32
    %dma_start3A_19 = tpu.memref_slice %arg2[%dma_start3A_17, %dma_start3A_18] : memref<32768x128xf32, #tpu.memory_space<hbm>> -> memref<32768x128xf32, #tpu.memory_space<hbm>>
    tpu.enqueue_indirect_dma source(%dma_start3A_19 : memref<32768x128xf32, #tpu.memory_space<hbm>>) target(%arg8 : memref<256x128xf32, #tpu.memory_space<vmem>>) offsets(%arg7 : memref<256xi32, #tpu.memory_space<vmem>>) semaphore(%arg10 : memref<!tpu.dma_semaphore, #tpu.memory_space<semaphore_mem>>)
    %dma_start3A_20 = arith.constant 0 : i32
    %dma_start3A_21 = arith.constant 0 : i32
    %dma_start3A_22 = tpu.memref_slice %arg3[%dma_start3A_20, %dma_start3A_21] : memref<32768x128xf32, #tpu.memory_space<hbm>> -> memref<32768x128xf32, #tpu.memory_space<hbm>>
    tpu.enqueue_indirect_dma source(%dma_start3A_22 : memref<32768x128xf32, #tpu.memory_space<hbm>>) target(%arg9 : memref<256x128xf32, #tpu.memory_space<vmem>>) offsets(%arg7 : memref<256xi32, #tpu.memory_space<vmem>>) semaphore(%arg11 : memref<!tpu.dma_semaphore, #tpu.memory_space<semaphore_mem>>)
    %dma_wait3A_23 = arith.constant 0 : i32
    %dma_wait3A_24 = arith.constant 0 : i32
    %dma_wait3A_25 = tpu.memref_slice %arg2[%dma_wait3A_23, %dma_wait3A_24] : memref<32768x128xf32, #tpu.memory_space<hbm>> -> memref<32768x128xf32, #tpu.memory_space<hbm>>
    tpu.wait_indirect_dma semaphore(%arg10 : memref<!tpu.dma_semaphore, #tpu.memory_space<semaphore_mem>>) src(%dma_wait3A_25 : memref<32768x128xf32, #tpu.memory_space<hbm>>) dst(%arg8 : memref<256x128xf32, #tpu.memory_space<vmem>>)
    %dma_wait3A_26 = arith.constant 0 : i32
    %dma_wait3A_27 = arith.constant 0 : i32
    %dma_wait3A_28 = tpu.memref_slice %arg3[%dma_wait3A_26, %dma_wait3A_27] : memref<32768x128xf32, #tpu.memory_space<hbm>> -> memref<32768x128xf32, #tpu.memory_space<hbm>>
    tpu.wait_indirect_dma semaphore(%arg11 : memref<!tpu.dma_semaphore, #tpu.memory_space<semaphore_mem>>) src(%dma_wait3A_28 : memref<32768x128xf32, #tpu.memory_space<hbm>>) dst(%arg9 : memref<256x128xf32, #tpu.memory_space<vmem>>)
    "tpu.region"() ({
      %run_scoped3A = tpu.sem_alloc : memref<!tpu.dma_semaphore, #tpu.memory_space<semaphore_mem>>
      %dma_start3A_57 = arith.constant 0 : i32
      %dma_start3A_58 = tpu.memref_slice %arg5[%add3A_16, %dma_start3A_57] : memref<32768x128xf32, #tpu.memory_space<hbm>> -> memref<256x128xf32, #tpu.memory_space<hbm>>
      %dma_start3A_59 = arith.constant 0 : i32
      %dma_start3A_60 = tpu.memref_slice %arg5[%add3A_16, %dma_start3A_59] : memref<32768x128xf32, #tpu.memory_space<hbm>> -> memref<256x128xf32, #tpu.memory_space<hbm>>
      tpu.enqueue_dma source(%arg8 : memref<256x128xf32, #tpu.memory_space<vmem>>) target(%dma_start3A_60 : memref<256x128xf32, #tpu.memory_space<hbm>>) target_semaphore(%run_scoped3A : memref<!tpu.dma_semaphore, #tpu.memory_space<semaphore_mem>>)
      %dma_wait3A_61 = arith.constant 0 : i32
      %dma_wait3A_62 = tpu.memref_slice %arg5[%add3A_16, %dma_wait3A_61] : memref<32768x128xf32, #tpu.memory_space<hbm>> -> memref<256x128xf32, #tpu.memory_space<hbm>>
      %dma_wait3A_63 = arith.constant 0 : i32
      %dma_wait3A_64 = tpu.memref_slice %arg5[%add3A_16, %dma_wait3A_63] : memref<32768x128xf32, #tpu.memory_space<hbm>> -> memref<256x128xf32, #tpu.memory_space<hbm>>
      tpu.wait_dma2 semaphore(%run_scoped3A : memref<!tpu.dma_semaphore, #tpu.memory_space<semaphore_mem>>) src(%arg8 : memref<256x128xf32, #tpu.memory_space<vmem>>) dst(%dma_wait3A_64 : memref<256x128xf32, #tpu.memory_space<hbm>>)
      tpu.yield
    }) : () -> ()
    "tpu.region"() ({
      %run_scoped3A = tpu.sem_alloc : memref<!tpu.dma_semaphore, #tpu.memory_space<semaphore_mem>>
      %dma_start3A_57 = arith.constant 0 : i32
      %dma_start3A_58 = tpu.memref_slice %arg6[%add3A_16, %dma_start3A_57] : memref<32768x128xf32, #tpu.memory_space<hbm>> -> memref<256x128xf32, #tpu.memory_space<hbm>>
      %dma_start3A_59 = arith.constant 0 : i32
      %dma_start3A_60 = tpu.memref_slice %arg6[%add3A_16, %dma_start3A_59] : memref<32768x128xf32, #tpu.memory_space<hbm>> -> memref<256x128xf32, #tpu.memory_space<hbm>>
      tpu.enqueue_dma source(%arg9 : memref<256x128xf32, #tpu.memory_space<vmem>>) target(%dma_start3A_60 : memref<256x128xf32, #tpu.memory_space<hbm>>) target_semaphore(%run_scoped3A : memref<!tpu.dma_semaphore, #tpu.memory_space<semaphore_mem>>)
      %dma_wait3A_61 = arith.constant 0 : i32
      %dma_wait3A_62 = tpu.memref_slice %arg6[%add3A_16, %dma_wait3A_61] : memref<32768x128xf32, #tpu.memory_space<hbm>> -> memref<256x128xf32, #tpu.memory_space<hbm>>
      %dma_wait3A_63 = arith.constant 0 : i32
      %dma_wait3A_64 = tpu.memref_slice %arg6[%add3A_16, %dma_wait3A_63] : memref<32768x128xf32, #tpu.memory_space<hbm>> -> memref<256x128xf32, #tpu.memory_space<hbm>>
      tpu.wait_dma2 semaphore(%run_scoped3A : memref<!tpu.dma_semaphore, #tpu.memory_space<semaphore_mem>>) src(%arg9 : memref<256x128xf32, #tpu.memory_space<vmem>>) dst(%dma_wait3A_64 : memref<256x128xf32, #tpu.memory_space<hbm>>)
      tpu.yield
    }) : () -> ()
    %add3A_29 = arith.constant 512 : i32
    %add3A_30 = arith.addi %mul3A_2, %add3A_29 : i32
    "tpu.region"() ({
      %run_scoped3A = tpu.sem_alloc : memref<!tpu.dma_semaphore, #tpu.memory_space<semaphore_mem>>
      %dma_start3A_57 = tpu.memref_slice %arg4[%add3A_30] : memref<32768xi32, #tpu.memory_space<hbm>> -> memref<256xi32, #tpu.memory_space<hbm>>
      %dma_start3A_58 = tpu.memref_slice %arg4[%add3A_30] : memref<32768xi32, #tpu.memory_space<hbm>> -> memref<256xi32, #tpu.memory_space<hbm>>
      tpu.enqueue_dma source(%dma_start3A_58 : memref<256xi32, #tpu.memory_space<hbm>>) target(%arg7 : memref<256xi32, #tpu.memory_space<vmem>>) target_semaphore(%run_scoped3A : memref<!tpu.dma_semaphore, #tpu.memory_space<semaphore_mem>>)
      %dma_wait3A_59 = tpu.memref_slice %arg4[%add3A_30] : memref<32768xi32, #tpu.memory_space<hbm>> -> memref<256xi32, #tpu.memory_space<hbm>>
      %dma_wait3A_60 = tpu.memref_slice %arg4[%add3A_30] : memref<32768xi32, #tpu.memory_space<hbm>> -> memref<256xi32, #tpu.memory_space<hbm>>
      tpu.wait_dma2 semaphore(%run_scoped3A : memref<!tpu.dma_semaphore, #tpu.memory_space<semaphore_mem>>) src(%dma_wait3A_60 : memref<256xi32, #tpu.memory_space<hbm>>) dst(%arg7 : memref<256xi32, #tpu.memory_space<vmem>>)
      tpu.yield
    }) : () -> ()
    %dma_start3A_31 = arith.constant 0 : i32
    %dma_start3A_32 = arith.constant 0 : i32
    %dma_start3A_33 = tpu.memref_slice %arg2[%dma_start3A_31, %dma_start3A_32] : memref<32768x128xf32, #tpu.memory_space<hbm>> -> memref<32768x128xf32, #tpu.memory_space<hbm>>
    tpu.enqueue_indirect_dma source(%dma_start3A_33 : memref<32768x128xf32, #tpu.memory_space<hbm>>) target(%arg8 : memref<256x128xf32, #tpu.memory_space<vmem>>) offsets(%arg7 : memref<256xi32, #tpu.memory_space<vmem>>) semaphore(%arg10 : memref<!tpu.dma_semaphore, #tpu.memory_space<semaphore_mem>>)
    %dma_start3A_34 = arith.constant 0 : i32
    %dma_start3A_35 = arith.constant 0 : i32
    %dma_start3A_36 = tpu.memref_slice %arg3[%dma_start3A_34, %dma_start3A_35] : memref<32768x128xf32, #tpu.memory_space<hbm>> -> memref<32768x128xf32, #tpu.memory_space<hbm>>
    tpu.enqueue_indirect_dma source(%dma_start3A_36 : memref<32768x128xf32, #tpu.memory_space<hbm>>) target(%arg9 : memref<256x128xf32, #tpu.memory_space<vmem>>) offsets(%arg7 : memref<256xi32, #tpu.memory_space<vmem>>) semaphore(%arg11 : memref<!tpu.dma_semaphore, #tpu.memory_space<semaphore_mem>>)
    %dma_wait3A_37 = arith.constant 0 : i32
    %dma_wait3A_38 = arith.constant 0 : i32
    %dma_wait3A_39 = tpu.memref_slice %arg2[%dma_wait3A_37, %dma_wait3A_38] : memref<32768x128xf32, #tpu.memory_space<hbm>> -> memref<32768x128xf32, #tpu.memory_space<hbm>>
    tpu.wait_indirect_dma semaphore(%arg10 : memref<!tpu.dma_semaphore, #tpu.memory_space<semaphore_mem>>) src(%dma_wait3A_39 : memref<32768x128xf32, #tpu.memory_space<hbm>>) dst(%arg8 : memref<256x128xf32, #tpu.memory_space<vmem>>)
    %dma_wait3A_40 = arith.constant 0 : i32
    %dma_wait3A_41 = arith.constant 0 : i32
    %dma_wait3A_42 = tpu.memref_slice %arg3[%dma_wait3A_40, %dma_wait3A_41] : memref<32768x128xf32, #tpu.memory_space<hbm>> -> memref<32768x128xf32, #tpu.memory_space<hbm>>
    tpu.wait_indirect_dma semaphore(%arg11 : memref<!tpu.dma_semaphore, #tpu.memory_space<semaphore_mem>>) src(%dma_wait3A_42 : memref<32768x128xf32, #tpu.memory_space<hbm>>) dst(%arg9 : memref<256x128xf32, #tpu.memory_space<vmem>>)
    "tpu.region"() ({
      %run_scoped3A = tpu.sem_alloc : memref<!tpu.dma_semaphore, #tpu.memory_space<semaphore_mem>>
      %dma_start3A_57 = arith.constant 0 : i32
      %dma_start3A_58 = tpu.memref_slice %arg5[%add3A_30, %dma_start3A_57] : memref<32768x128xf32, #tpu.memory_space<hbm>> -> memref<256x128xf32, #tpu.memory_space<hbm>>
      %dma_start3A_59 = arith.constant 0 : i32
      %dma_start3A_60 = tpu.memref_slice %arg5[%add3A_30, %dma_start3A_59] : memref<32768x128xf32, #tpu.memory_space<hbm>> -> memref<256x128xf32, #tpu.memory_space<hbm>>
      tpu.enqueue_dma source(%arg8 : memref<256x128xf32, #tpu.memory_space<vmem>>) target(%dma_start3A_60 : memref<256x128xf32, #tpu.memory_space<hbm>>) target_semaphore(%run_scoped3A : memref<!tpu.dma_semaphore, #tpu.memory_space<semaphore_mem>>)
      %dma_wait3A_61 = arith.constant 0 : i32
      %dma_wait3A_62 = tpu.memref_slice %arg5[%add3A_30, %dma_wait3A_61] : memref<32768x128xf32, #tpu.memory_space<hbm>> -> memref<256x128xf32, #tpu.memory_space<hbm>>
      %dma_wait3A_63 = arith.constant 0 : i32
      %dma_wait3A_64 = tpu.memref_slice %arg5[%add3A_30, %dma_wait3A_63] : memref<32768x128xf32, #tpu.memory_space<hbm>> -> memref<256x128xf32, #tpu.memory_space<hbm>>
      tpu.wait_dma2 semaphore(%run_scoped3A : memref<!tpu.dma_semaphore, #tpu.memory_space<semaphore_mem>>) src(%arg8 : memref<256x128xf32, #tpu.memory_space<vmem>>) dst(%dma_wait3A_64 : memref<256x128xf32, #tpu.memory_space<hbm>>)
      tpu.yield
    }) : () -> ()
    "tpu.region"() ({
      %run_scoped3A = tpu.sem_alloc : memref<!tpu.dma_semaphore, #tpu.memory_space<semaphore_mem>>
      %dma_start3A_57 = arith.constant 0 : i32
      %dma_start3A_58 = tpu.memref_slice %arg6[%add3A_30, %dma_start3A_57] : memref<32768x128xf32, #tpu.memory_space<hbm>> -> memref<256x128xf32, #tpu.memory_space<hbm>>
      %dma_start3A_59 = arith.constant 0 : i32
      %dma_start3A_60 = tpu.memref_slice %arg6[%add3A_30, %dma_start3A_59] : memref<32768x128xf32, #tpu.memory_space<hbm>> -> memref<256x128xf32, #tpu.memory_space<hbm>>
      tpu.enqueue_dma source(%arg9 : memref<256x128xf32, #tpu.memory_space<vmem>>) target(%dma_start3A_60 : memref<256x128xf32, #tpu.memory_space<hbm>>) target_semaphore(%run_scoped3A : memref<!tpu.dma_semaphore, #tpu.memory_space<semaphore_mem>>)
      %dma_wait3A_61 = arith.constant 0 : i32
      %dma_wait3A_62 = tpu.memref_slice %arg6[%add3A_30, %dma_wait3A_61] : memref<32768x128xf32, #tpu.memory_space<hbm>> -> memref<256x128xf32, #tpu.memory_space<hbm>>
      %dma_wait3A_63 = arith.constant 0 : i32
      %dma_wait3A_64 = tpu.memref_slice %arg6[%add3A_30, %dma_wait3A_63] : memref<32768x128xf32, #tpu.memory_space<hbm>> -> memref<256x128xf32, #tpu.memory_space<hbm>>
      tpu.wait_dma2 semaphore(%run_scoped3A : memref<!tpu.dma_semaphore, #tpu.memory_space<semaphore_mem>>) src(%arg9 : memref<256x128xf32, #tpu.memory_space<vmem>>) dst(%dma_wait3A_64 : memref<256x128xf32, #tpu.memory_space<hbm>>)
      tpu.yield
    }) : () -> ()
    %add3A_43 = arith.constant 768 : i32
    %add3A_44 = arith.addi %mul3A_2, %add3A_43 : i32
    "tpu.region"() ({
      %run_scoped3A = tpu.sem_alloc : memref<!tpu.dma_semaphore, #tpu.memory_space<semaphore_mem>>
      %dma_start3A_57 = tpu.memref_slice %arg4[%add3A_44] : memref<32768xi32, #tpu.memory_space<hbm>> -> memref<256xi32, #tpu.memory_space<hbm>>
      %dma_start3A_58 = tpu.memref_slice %arg4[%add3A_44] : memref<32768xi32, #tpu.memory_space<hbm>> -> memref<256xi32, #tpu.memory_space<hbm>>
      tpu.enqueue_dma source(%dma_start3A_58 : memref<256xi32, #tpu.memory_space<hbm>>) target(%arg7 : memref<256xi32, #tpu.memory_space<vmem>>) target_semaphore(%run_scoped3A : memref<!tpu.dma_semaphore, #tpu.memory_space<semaphore_mem>>)
      %dma_wait3A_59 = tpu.memref_slice %arg4[%add3A_44] : memref<32768xi32, #tpu.memory_space<hbm>> -> memref<256xi32, #tpu.memory_space<hbm>>
      %dma_wait3A_60 = tpu.memref_slice %arg4[%add3A_44] : memref<32768xi32, #tpu.memory_space<hbm>> -> memref<256xi32, #tpu.memory_space<hbm>>
      tpu.wait_dma2 semaphore(%run_scoped3A : memref<!tpu.dma_semaphore, #tpu.memory_space<semaphore_mem>>) src(%dma_wait3A_60 : memref<256xi32, #tpu.memory_space<hbm>>) dst(%arg7 : memref<256xi32, #tpu.memory_space<vmem>>)
      tpu.yield
    }) : () -> ()
    %dma_start3A_45 = arith.constant 0 : i32
    %dma_start3A_46 = arith.constant 0 : i32
    %dma_start3A_47 = tpu.memref_slice %arg2[%dma_start3A_45, %dma_start3A_46] : memref<32768x128xf32, #tpu.memory_space<hbm>> -> memref<32768x128xf32, #tpu.memory_space<hbm>>
    tpu.enqueue_indirect_dma source(%dma_start3A_47 : memref<32768x128xf32, #tpu.memory_space<hbm>>) target(%arg8 : memref<256x128xf32, #tpu.memory_space<vmem>>) offsets(%arg7 : memref<256xi32, #tpu.memory_space<vmem>>) semaphore(%arg10 : memref<!tpu.dma_semaphore, #tpu.memory_space<semaphore_mem>>)
    %dma_start3A_48 = arith.constant 0 : i32
    %dma_start3A_49 = arith.constant 0 : i32
    %dma_start3A_50 = tpu.memref_slice %arg3[%dma_start3A_48, %dma_start3A_49] : memref<32768x128xf32, #tpu.memory_space<hbm>> -> memref<32768x128xf32, #tpu.memory_space<hbm>>
    tpu.enqueue_indirect_dma source(%dma_start3A_50 : memref<32768x128xf32, #tpu.memory_space<hbm>>) target(%arg9 : memref<256x128xf32, #tpu.memory_space<vmem>>) offsets(%arg7 : memref<256xi32, #tpu.memory_space<vmem>>) semaphore(%arg11 : memref<!tpu.dma_semaphore, #tpu.memory_space<semaphore_mem>>)
    %dma_wait3A_51 = arith.constant 0 : i32
    %dma_wait3A_52 = arith.constant 0 : i32
    %dma_wait3A_53 = tpu.memref_slice %arg2[%dma_wait3A_51, %dma_wait3A_52] : memref<32768x128xf32, #tpu.memory_space<hbm>> -> memref<32768x128xf32, #tpu.memory_space<hbm>>
    tpu.wait_indirect_dma semaphore(%arg10 : memref<!tpu.dma_semaphore, #tpu.memory_space<semaphore_mem>>) src(%dma_wait3A_53 : memref<32768x128xf32, #tpu.memory_space<hbm>>) dst(%arg8 : memref<256x128xf32, #tpu.memory_space<vmem>>)
    %dma_wait3A_54 = arith.constant 0 : i32
    %dma_wait3A_55 = arith.constant 0 : i32
    %dma_wait3A_56 = tpu.memref_slice %arg3[%dma_wait3A_54, %dma_wait3A_55] : memref<32768x128xf32, #tpu.memory_space<hbm>> -> memref<32768x128xf32, #tpu.memory_space<hbm>>
    tpu.wait_indirect_dma semaphore(%arg11 : memref<!tpu.dma_semaphore, #tpu.memory_space<semaphore_mem>>) src(%dma_wait3A_56 : memref<32768x128xf32, #tpu.memory_space<hbm>>) dst(%arg9 : memref<256x128xf32, #tpu.memory_space<vmem>>)
    "tpu.region"() ({
      %run_scoped3A = tpu.sem_alloc : memref<!tpu.dma_semaphore, #tpu.memory_space<semaphore_mem>>
      %dma_start3A_57 = arith.constant 0 : i32
      %dma_start3A_58 = tpu.memref_slice %arg5[%add3A_44, %dma_start3A_57] : memref<32768x128xf32, #tpu.memory_space<hbm>> -> memref<256x128xf32, #tpu.memory_space<hbm>>
      %dma_start3A_59 = arith.constant 0 : i32
      %dma_start3A_60 = tpu.memref_slice %arg5[%add3A_44, %dma_start3A_59] : memref<32768x128xf32, #tpu.memory_space<hbm>> -> memref<256x128xf32, #tpu.memory_space<hbm>>
      tpu.enqueue_dma source(%arg8 : memref<256x128xf32, #tpu.memory_space<vmem>>) target(%dma_start3A_60 : memref<256x128xf32, #tpu.memory_space<hbm>>) target_semaphore(%run_scoped3A : memref<!tpu.dma_semaphore, #tpu.memory_space<semaphore_mem>>)
      %dma_wait3A_61 = arith.constant 0 : i32
      %dma_wait3A_62 = tpu.memref_slice %arg5[%add3A_44, %dma_wait3A_61] : memref<32768x128xf32, #tpu.memory_space<hbm>> -> memref<256x128xf32, #tpu.memory_space<hbm>>
      %dma_wait3A_63 = arith.constant 0 : i32
      %dma_wait3A_64 = tpu.memref_slice %arg5[%add3A_44, %dma_wait3A_63] : memref<32768x128xf32, #tpu.memory_space<hbm>> -> memref<256x128xf32, #tpu.memory_space<hbm>>
      tpu.wait_dma2 semaphore(%run_scoped3A : memref<!tpu.dma_semaphore, #tpu.memory_space<semaphore_mem>>) src(%arg8 : memref<256x128xf32, #tpu.memory_space<vmem>>) dst(%dma_wait3A_64 : memref<256x128xf32, #tpu.memory_space<hbm>>)
      tpu.yield
    }) : () -> ()
    "tpu.region"() ({
      %run_scoped3A = tpu.sem_alloc : memref<!tpu.dma_semaphore, #tpu.memory_space<semaphore_mem>>
      %dma_start3A_57 = arith.constant 0 : i32
      %dma_start3A_58 = tpu.memref_slice %arg6[%add3A_44, %dma_start3A_57] : memref<32768x128xf32, #tpu.memory_space<hbm>> -> memref<256x128xf32, #tpu.memory_space<hbm>>
      %dma_start3A_59 = arith.constant 0 : i32
      %dma_start3A_60 = tpu.memref_slice %arg6[%add3A_44, %dma_start3A_59] : memref<32768x128xf32, #tpu.memory_space<hbm>> -> memref<256x128xf32, #tpu.memory_space<hbm>>
      tpu.enqueue_dma source(%arg9 : memref<256x128xf32, #tpu.memory_space<vmem>>) target(%dma_start3A_60 : memref<256x128xf32, #tpu.memory_space<hbm>>) target_semaphore(%run_scoped3A : memref<!tpu.dma_semaphore, #tpu.memory_space<semaphore_mem>>)
      %dma_wait3A_61 = arith.constant 0 : i32
      %dma_wait3A_62 = tpu.memref_slice %arg6[%add3A_44, %dma_wait3A_61] : memref<32768x128xf32, #tpu.memory_space<hbm>> -> memref<256x128xf32, #tpu.memory_space<hbm>>
      %dma_wait3A_63 = arith.constant 0 : i32
      %dma_wait3A_64 = tpu.memref_slice %arg6[%add3A_44, %dma_wait3A_63] : memref<32768x128xf32, #tpu.memory_space<hbm>> -> memref<256x128xf32, #tpu.memory_space<hbm>>
      tpu.wait_dma2 semaphore(%run_scoped3A : memref<!tpu.dma_semaphore, #tpu.memory_space<semaphore_mem>>) src(%arg9 : memref<256x128xf32, #tpu.memory_space<vmem>>) dst(%dma_wait3A_64 : memref<256x128xf32, #tpu.memory_space<hbm>>)
      tpu.yield
    }) : () -> ()
    return
  }
}

module attributes {stable_mosaic.version = 14 : i64} {
  func.func @_rope_kernel(%arg0: i32, %arg1: memref<8192x1xi32, #tpu.memory_space<vmem>>, %arg2: memref<1x128xf32, #tpu.memory_space<vmem>>, %arg3: memref<8192x128xf32, #tpu.memory_space<vmem>>, %arg4: memref<8192x128xf32, #tpu.memory_space<vmem>>) attributes {dimension_semantics = [#tpu.dimension_semantics<parallel>], iteration_bounds = array<i64: 4>, scalar_prefetch = 0 : i64, scratch_operands = 0 : i64, tpu.core_type = #tpu.core_type<tc>, window_params = [{transform_indices = @transform_0, window_bounds = array<i64: 8192, 1>}, {pipeline_mode = #tpu.pipeline_mode<synchronous>, transform_indices = @transform_1, window_bounds = array<i64: 1, 128>}, {transform_indices = @transform_2, window_bounds = array<i64: 8192, 128>}, {transform_indices = @transform_3, window_bounds = array<i64: 8192, 128>}]} {
    %get3A = arith.constant 0 : index
    %get3A_0 = arith.constant 0 : index
    %get3A_1 = vector.load %arg1[%get3A, %get3A_0] : memref<8192x1xi32, #tpu.memory_space<vmem>>, vector<4096x1xi32>
    %convert_element_type3A = arith.sitofp %get3A_1 : vector<4096x1xi32> to vector<4096x1xf32>
    %get3A_2 = arith.constant 4096 : index
    %get3A_3 = arith.constant 0 : index
    %get3A_4 = vector.load %arg1[%get3A_2, %get3A_3] : memref<8192x1xi32, #tpu.memory_space<vmem>>, vector<4096x1xi32>
    %convert_element_type3A_5 = arith.sitofp %get3A_4 : vector<4096x1xi32> to vector<4096x1xf32>
    %iota3A = tpu.iota {dimensions = array<i32: 1>} : vector<4096x128xi32>
    %lt3A = arith.constant 64 : i32
    %lt3A_6 = vector.broadcast %lt3A : i32 to vector<4096x128xi32>
    %lt3A_7 = arith.cmpi slt, %iota3A, %lt3A_6 : vector<4096x128xi32>
    %broadcast_in_dim3A = vector.shape_cast %convert_element_type3A : vector<4096x1xf32> to vector<4096x1xf32>
    %broadcast_in_dim3A_8 = vector.broadcast %broadcast_in_dim3A : vector<4096x1xf32> to vector<4096x128xf32>
    %broadcast_in_dim3A_9 = vector.shape_cast %convert_element_type3A_5 : vector<4096x1xf32> to vector<4096x1xf32>
    %broadcast_in_dim3A_10 = vector.broadcast %broadcast_in_dim3A_9 : vector<4096x1xf32> to vector<4096x128xf32>
    %select_n3A = arith.select %lt3A_7, %broadcast_in_dim3A_8, %broadcast_in_dim3A_10 : vector<4096x128xi1>, vector<4096x128xf32>
    %get3A_11 = arith.constant 0 : index
    %get3A_12 = arith.constant 0 : index
    %get3A_13 = vector.load %arg2[%get3A_11, %get3A_12] : memref<1x128xf32, #tpu.memory_space<vmem>>, vector<1x128xf32>
    %mul3A = vector.broadcast %get3A_13 : vector<1x128xf32> to vector<4096x128xf32>
    %mul3A_14 = arith.mulf %select_n3A, %mul3A : vector<4096x128xf32>
    %round3A = math.roundeven %mul3A_14 : vector<4096x128xf32>
    %sub3A = arith.subf %mul3A_14, %round3A : vector<4096x128xf32>
    %convert_element_type3A_15 = arith.fptosi %round3A : vector<4096x128xf32> to vector<4096x128xi32>
    %mul3A_16 = arith.mulf %sub3A, %sub3A : vector<4096x128xf32>
    %mul3A_17 = arith.constant 0.2536695 : f32
    %mul3A_18 = vector.broadcast %mul3A_17 : f32 to vector<4096x128xf32>
    %mul3A_19 = arith.mulf %mul3A_16, %mul3A_18 : vector<4096x128xf32>
    %add3A = arith.constant -1.23370051 : f32
    %add3A_20 = vector.broadcast %add3A : f32 to vector<4096x128xf32>
    %add3A_21 = arith.addf %add3A_20, %mul3A_19 : vector<4096x128xf32>
    %mul3A_22 = arith.mulf %mul3A_16, %add3A_21 : vector<4096x128xf32>
    %add3A_23 = arith.constant 1.000000e+00 : f32
    %add3A_24 = vector.broadcast %add3A_23 : f32 to vector<4096x128xf32>
    %add3A_25 = arith.addf %add3A_24, %mul3A_22 : vector<4096x128xf32>
    %mul3A_26 = arith.constant 0.0796926245 : f32
    %mul3A_27 = vector.broadcast %mul3A_26 : f32 to vector<4096x128xf32>
    %mul3A_28 = arith.mulf %mul3A_16, %mul3A_27 : vector<4096x128xf32>
    %add3A_29 = arith.constant -0.645964086 : f32
    %add3A_30 = vector.broadcast %add3A_29 : f32 to vector<4096x128xf32>
    %add3A_31 = arith.addf %add3A_30, %mul3A_28 : vector<4096x128xf32>
    %mul3A_32 = arith.mulf %mul3A_16, %add3A_31 : vector<4096x128xf32>
    %add3A_33 = arith.constant 1.57079637 : f32
    %add3A_34 = vector.broadcast %add3A_33 : f32 to vector<4096x128xf32>
    %add3A_35 = arith.addf %add3A_34, %mul3A_32 : vector<4096x128xf32>
    %mul3A_36 = arith.mulf %sub3A, %add3A_35 : vector<4096x128xf32>
    %and3A = arith.constant 1 : i32
    %and3A_37 = vector.broadcast %and3A : i32 to vector<4096x128xi32>
    %and3A_38 = arith.andi %convert_element_type3A_15, %and3A_37 : vector<4096x128xi32>
    %ne3A = arith.constant 0 : i32
    %ne3A_39 = vector.broadcast %ne3A : i32 to vector<4096x128xi32>
    %ne3A_40 = arith.cmpi ne, %and3A_38, %ne3A_39 : vector<4096x128xi32>
    %select_n3A_41 = arith.select %ne3A_40, %mul3A_36, %add3A_25 : vector<4096x128xi1>, vector<4096x128xf32>
    %select_n3A_42 = arith.select %ne3A_40, %add3A_25, %mul3A_36 : vector<4096x128xi1>, vector<4096x128xf32>
    %add3A_43 = arith.constant 1 : i32
    %add3A_44 = vector.broadcast %add3A_43 : i32 to vector<4096x128xi32>
    %add3A_45 = arith.addi %convert_element_type3A_15, %add3A_44 : vector<4096x128xi32>
    %and3A_46 = arith.constant 2 : i32
    %and3A_47 = vector.broadcast %and3A_46 : i32 to vector<4096x128xi32>
    %and3A_48 = arith.andi %add3A_45, %and3A_47 : vector<4096x128xi32>
    %shift_left3A = arith.constant 30 : i32
    %shift_left3A_49 = vector.broadcast %shift_left3A : i32 to vector<4096x128xi32>
    %shift_left3A_50 = arith.shli %and3A_48, %shift_left3A_49 : vector<4096x128xi32>
    %and3A_51 = arith.constant 2 : i32
    %and3A_52 = vector.broadcast %and3A_51 : i32 to vector<4096x128xi32>
    %and3A_53 = arith.andi %convert_element_type3A_15, %and3A_52 : vector<4096x128xi32>
    %shift_left3A_54 = arith.constant 30 : i32
    %shift_left3A_55 = vector.broadcast %shift_left3A_54 : i32 to vector<4096x128xi32>
    %shift_left3A_56 = arith.shli %and3A_53, %shift_left3A_55 : vector<4096x128xi32>
    %bitcast_convert_type3A = tpu.bitcast %select_n3A_41 : vector<4096x128xf32> -> vector<4096x128xi32>
    %xor3A = arith.xori %bitcast_convert_type3A, %shift_left3A_50 : vector<4096x128xi32>
    %bitcast_convert_type3A_57 = tpu.bitcast %xor3A : vector<4096x128xi32> -> vector<4096x128xf32>
    %bitcast_convert_type3A_58 = tpu.bitcast %select_n3A_42 : vector<4096x128xf32> -> vector<4096x128xi32>
    %xor3A_59 = arith.xori %bitcast_convert_type3A_58, %shift_left3A_56 : vector<4096x128xi32>
    %bitcast_convert_type3A_60 = tpu.bitcast %xor3A_59 : vector<4096x128xi32> -> vector<4096x128xf32>
    %lt3A_61 = arith.constant 64 : i32
    %lt3A_62 = vector.broadcast %lt3A_61 : i32 to vector<4096x128xi32>
    %lt3A_63 = arith.cmpi slt, %iota3A, %lt3A_62 : vector<4096x128xi32>
    %roll3A = arith.constant 64 : i32
    %roll3A_64 = tpu.dynamic_rotate %bitcast_convert_type3A_57 by %roll3A dim 1 : vector<4096x128xf32>, i32 -> vector<4096x128xf32>
    %roll3A_65 = arith.constant 64 : i32
    %roll3A_66 = tpu.dynamic_rotate %bitcast_convert_type3A_60 by %roll3A_65 dim 1 : vector<4096x128xf32>, i32 -> vector<4096x128xf32>
    %select_n3A_67 = arith.select %lt3A_63, %bitcast_convert_type3A_57, %roll3A_64 : vector<4096x128xi1>, vector<4096x128xf32>
    %swap3A = arith.constant 0 : index
    %swap3A_68 = arith.constant 0 : index
    %swap3A_69 = vector.load %arg3[%swap3A, %swap3A_68] : memref<8192x128xf32, #tpu.memory_space<vmem>>, vector<4096x128xf32>
    tpu.vector_store %arg3[%swap3A, %swap3A_68], %select_n3A_67 {strides = array<i32>} : memref<8192x128xf32, #tpu.memory_space<vmem>>, vector<4096x128xf32>,
    %select_n3A_70 = arith.select %lt3A_63, %roll3A_64, %bitcast_convert_type3A_57 : vector<4096x128xi1>, vector<4096x128xf32>
    %swap3A_71 = arith.constant 4096 : index
    %swap3A_72 = arith.constant 0 : index
    %swap3A_73 = vector.load %arg3[%swap3A_71, %swap3A_72] : memref<8192x128xf32, #tpu.memory_space<vmem>>, vector<4096x128xf32>
    tpu.vector_store %arg3[%swap3A_71, %swap3A_72], %select_n3A_70 {strides = array<i32>} : memref<8192x128xf32, #tpu.memory_space<vmem>>, vector<4096x128xf32>,
    %select_n3A_74 = arith.select %lt3A_63, %bitcast_convert_type3A_60, %roll3A_66 : vector<4096x128xi1>, vector<4096x128xf32>
    %swap3A_75 = arith.constant 0 : index
    %swap3A_76 = arith.constant 0 : index
    %swap3A_77 = vector.load %arg4[%swap3A_75, %swap3A_76] : memref<8192x128xf32, #tpu.memory_space<vmem>>, vector<4096x128xf32>
    tpu.vector_store %arg4[%swap3A_75, %swap3A_76], %select_n3A_74 {strides = array<i32>} : memref<8192x128xf32, #tpu.memory_space<vmem>>, vector<4096x128xf32>,
    %select_n3A_78 = arith.select %lt3A_63, %roll3A_66, %bitcast_convert_type3A_60 : vector<4096x128xi1>, vector<4096x128xf32>
    %swap3A_79 = arith.constant 4096 : index
    %swap3A_80 = arith.constant 0 : index
    %swap3A_81 = vector.load %arg4[%swap3A_79, %swap3A_80] : memref<8192x128xf32, #tpu.memory_space<vmem>>, vector<4096x128xf32>
    tpu.vector_store %arg4[%swap3A_79, %swap3A_80], %select_n3A_78 {strides = array<i32>} : memref<8192x128xf32, #tpu.memory_space<vmem>>, vector<4096x128xf32>,
    return
  }
  func.func @transform_0(%arg0: i32) -> (i32, i32) {
    %c0_i32 = arith.constant 0 : i32
    %c0_i32_0 = arith.constant 0 : i32
    return %arg0, %c0_i32 : i32, i32
  }
  func.func @transform_1(%arg0: i32) -> (i32, i32) {
    %c0_i32 = arith.constant 0 : i32
    %c0_i32_0 = arith.constant 0 : i32
    %c0_i32_1 = arith.constant 0 : i32
    return %c0_i32, %c0_i32_0 : i32, i32
  }
  func.func @transform_2(%arg0: i32) -> (i32, i32) {
    %c0_i32 = arith.constant 0 : i32
    %c0_i32_0 = arith.constant 0 : i32
    return %arg0, %c0_i32 : i32, i32
  }
  func.func @transform_3(%arg0: i32) -> (i32, i32) {
    %c0_i32 = arith.constant 0 : i32
    %c0_i32_0 = arith.constant 0 : i32
    return %arg0, %c0_i32 : i32, i32
  }
}

</mosaic_0001>

<sc_bundles>
// kernel: kernel.4.cloned.1.call-start
scs
__scs_entry_jumppad:
0x0: {  	(pc) =	sbr.rel $0x88, $3  }
0x1: {  	(tag) =	ssettag $0x0;
	lr =	simm.s32 $0x1  }
0x2: {  	[smem:$0x3F9F] =	sst lr;
	_ =	strace $0xD0000000  }
0x3: {  	_ = 	snop  }
0x4: {  	_ = 	snop  }
0x5: {  	_ = 	snop  }
0x6: {  	_ = 	snop  }
0x7: {  	_ = 	snop  }
__scs_overlays_trampoline_lowered:
0x8: {  	[smem:$0x3FAE] =	sst s0  }
0x9: {  	[smem:$0x3FAF] =	sst s1  }
0xa: {  	[smem:$0x3FB0] =	sst s2  }
0xb: {  	[smem:$0x3FB1] =	sst s3  }
0xc: {  	[smem:$0x3FB2] =	sst s4  }
0xd: {  	[smem:$0x3FB3] =	sst s5  }
0xe: {  	[smem:$0x3FB4] =	sst s6  }
0xf: {  	[smem:$0x3FB5] =	sst s7  }
0x10: {  	[smem:$0x3FB6] =	sst s8  }
0x11: {  	[smem:$0x3FB7] =	sst s9;
	s0 =	simm.s32 @!p0 $0x0  }
0x12: {  	s1 =	sld [smem:$0x3F9D];
	s0 =	simm.s32 @p0 $0x1  }
0x13: {  	[smem:$0x3FB8] =	sst s0;
	s0 =	simm.s32 @!p1 $0x0  }
0x14: {  	s2 =	sld [smem:$0x3F9C];
	s0 =	simm.s32 @p1 $0x1  }
0x15: {  	[smem:$0x3FB9] =	sst s0;
	s0 =	simm.s32 @!p2 $0x0  }
0x16: {  	s3 =	sld [smem:$0x3FDB];
	s0 =	simm.s32 @p2 $0x1  }
0x17: {  	s4 =	simm.s32 $0x1BF5;
	[smem:$0x3FBB] =	sst s0  }
0x18: {  	s0 =	sld [smem:$0x3F9E];
	_ =	swait.ge [sflag:s4], $0x0  }
0x19: {  	s7 =	sld [smem:$0x3F9F]  }
0x1a: {  	s8 =	sadd.s32 $0xFFFFE003, lr  }
0x1b: {  	s9 =	sadd.s32 $0xFFFFFEF7, lr;
	s5 =	simm.s32 $0xFFFFFFFF;
	p2 =	slt.u32 s8, $0xFFFFF086  }
0x1c: {  	p1 =	slt.u32 s9, $0xF7A;
	s5 =	simm.s32 @!p2 $0x0  }
0x1d: {  	s5 =	simm.s32 @p1 $0x1;
	p0 =	seq.s32 s7, s2  }
0x1e: {  	s7 =	smul.u32 @!p0 $0xF7A, s2;
	p2 =	seq.s32 @!p0 s5, $0x0  }
0x1f: {  	s9 =	smul.u32 $0xF7A, s1;
	s8 =	simm.s32 @!p0 $0x1BF5;
	p2 =	por !p2, p0  }
0x20: {  	[sflag:s8] =	ssyncset.s32 @!p0 $0xFFFFF086;
	s6 =	sadd.s32 @!p0 s3, s7;
	s7 =	simm.s32 @!p0 $0x108  }
0x21: {  	s3 =	sadd.s32 s3, s9;
	s6 =	sadd.s32 @!p0 $0x88, s6;
	s7 =	simm.s32 @p2 $0x1082  }
0x22: {  	[simem:s7], [sflag:s8] =	dma.local @!p0 [hbm:s6], $0xF7A  }
0x23: {  	s9 =	sor.u32 $0xD0000000, s2;
	s6 =	simm.s32 $0x108;
	_ =	swait.ge @!p0 [sflag:s8], $0x0  }
0x24: {  	s3 =	sadd.s32 $0x88, s3;
	s6 =	simm.s32 @!p1 $0x1082;
	[sflag:s4] =	ssyncset.s32 $0xFFFFF086  }
0x25: {  	[simem:s6], [sflag:s4] =	dma.local [hbm:s3], $0xF7A  }
0x26: {  	[smem:$0x3F9F] =	sst s1;
	(tag) =	ssettag s2;
	_ =	strace s9  }
0x27: {  	s1 =	sld [smem:$0x3FAF]  }
0x28: {  	s2 =	sld [smem:$0x3FB0]  }
0x29: {  	s4 =	sld [smem:$0x3FB2]  }
0x2a: {  	p0 =	seq.s32 s5, $0x0;
	s5 =	sld [smem:$0x3FB3]  }
0x2b: {  	s6 =	sld [smem:$0x3FB4]  }
0x2c: {  	s7 =	sld [smem:$0x3FB5]  }
0x2d: {  	s3 =	simm.s32 $0x108;
	s8 =	sld [smem:$0x3FB6]  }
0x2e: {  	s3 =	simm.s32 @!p0 $0x1082;
	s9 =	sld [smem:$0x3FB7]  }
0x2f: {  	lr =	sadd.s32 s0, s3;
	s0 =	sld [smem:$0x3FAE]  }
0x30: {  	s3 =	sld [smem:$0x3FB1]  }
0x31: {  	[smem:$0x3FBA] =	sst s10  }
0x32: {  	s10 =	sld [smem:$0x3FB8];
	_ =	sdelay $0x3  }
0x33: {  	p0 =	seq.s32 s10, $0x1;
	s10 =	sld [smem:$0x3FBA];
	_ =	sdelay $0x3  }
0x34: {  	[smem:$0x3FBA] =	sst s10  }
0x35: {  	s10 =	sld [smem:$0x3FB9];
	_ =	sdelay $0x3  }
0x36: {  	p1 =	seq.s32 s10, $0x1;
	s10 =	sld [smem:$0x3FBA];
	_ =	sdelay $0x3  }
0x37: {  	[smem:$0x3FBA] =	sst s10  }
0x38: {  	s10 =	sld [smem:$0x3FBB]  }
0x39: {  	_ = 	snop;
	(pc) =	sbr.ind lr, $3  }
0x3a: {  	_ = 	snop  }
0x3b: {  	_ = 	snop  }
0x3c: {  	p2 =	seq.s32 s10, $0x1;
	s10 =	sld [smem:$0x3FBA]  }
0x3d: {  	_ =	shalt  }
0x3e: {  	_ =	shalt  }
0x3f: {  	_ =	shalt  }
0x40: {  	_ =	shalt  }
0x41: {  	_ =	shalt  }
0x42: {  	_ =	shalt  }
0x43: {  	_ =	shalt  }
0x44: {  	_ =	shalt  }
0x45: {  	_ =	shalt  }
0x46: {  	_ =	shalt  }
0x47: {  	_ =	shalt  }
0x48: {  	_ =	shalt  }
0x49: {  	_ =	shalt  }
0x4a: {  	_ =	shalt  }
0x4b: {  	_ =	shalt  }
0x4c: {  	_ =	shalt  }
0x4d: {  	_ =	shalt  }
0x4e: {  	_ =	shalt  }
0x4f: {  	_ =	shalt  }
0x50: {  	_ =	shalt  }
0x51: {  	_ =	shalt  }
0x52: {  	_ =	shalt  }
0x53: {  	_ =	shalt  }
0x54: {  	_ =	shalt  }
0x55: {  	_ =	shalt  }
0x56: {  	_ =	shalt  }
0x57: {  	_ =	shalt  }
0x58: {  	_ =	shalt  }
0x59: {  	_ =	shalt  }
0x5a: {  	_ =	shalt  }
0x5b: {  	_ =	shalt  }
0x5c: {  	_ =	shalt  }
0x5d: {  	_ =	shalt  }
0x5e: {  	_ =	shalt  }
0x5f: {  	_ =	shalt  }
0x60: {  	_ =	shalt  }
0x61: {  	_ =	shalt  }
0x62: {  	_ =	shalt  }
0x63: {  	_ =	shalt  }
0x64: {  	_ =	shalt  }
0x65: {  	_ =	shalt  }
0x66: {  	_ =	shalt  }
0x67: {  	_ =	shalt  }
0x68: {  	_ =	shalt  }
0x69: {  	_ =	shalt  }
0x6a: {  	_ =	shalt  }
0x6b: {  	_ =	shalt  }
0x6c: {  	_ =	shalt  }
0x6d: {  	_ =	shalt  }
0x6e: {  	_ =	shalt  }
0x6f: {  	_ =	shalt  }
0x70: {  	_ =	shalt  }
0x71: {  	_ =	shalt  }
0x72: {  	_ =	shalt  }
0x73: {  	_ =	shalt  }
0x74: {  	_ =	shalt  }
0x75: {  	_ =	shalt  }
0x76: {  	_ =	shalt  }
0x77: {  	_ =	shalt  }
0x78: {  	_ =	shalt  }
0x79: {  	_ =	shalt  }
0x7a: {  	_ =	shalt  }
0x7b: {  	_ =	shalt  }
0x7c: {  	_ =	shalt  }
0x7d: {  	_ =	shalt  }
0x7e: {  	_ =	shalt  }
0x7f: {  	_ =	shalt  }
0x80: {  	_ =	shalt  }
0x81: {  	_ =	shalt  }
0x82: {  	_ =	shalt  }
0x83: {  	_ =	shalt  }
0x84: {  	_ =	shalt  }
0x85: {  	_ =	shalt  }
0x86: {  	_ =	shalt  }
0x87: {  	_ =	shalt  }
.Lfunc_end0:
.L_simem_size_0:
called_computation_lowered:
.L_overlay_start_0:
0x88: {  	s2 =	sld [smem:$0x3FD9]  }
0x89: {  	s3 =	sld [smem:$0x3FFE];
	_ =	sdelay $0x1  }
0x8a: {  	s1 =	srdreg.scid  }
0x8b: {  	s0 =	sand.u32 $0x1, s1  }
0x8c: {  	s14 =	sshll.u32 s0, $0xA;
	s2 =	sadd.s32 s3, s2  }
0x8d: {  	s2 =	sadd.s32 s2, s14  }
0x8e: {  	[smem:$0x3FC6] =	sst s2  }
0x8f: {  	_ = 	snop  }
0x90: {  	s2 =	sld [smem:$0x3FD0];
	_ =	sdelay $0x2  }
0x91: {  	s15 =	simm.s32 $0xA;
	s4 =	simm.s32 $0x10  }
0x92: {  	[smem:s4], [sflag:s15] =	dma.local [hbm:s2], $0x1  }
0x93: {  	_ =	swait.eq [sflag:s15], $0x1  }
0x94: {  	[sflag:s15] =	ssyncset.done $0x0  }
0x95: {  	s16 =	sld [smem:$0x10];
	[sflag:s15] =	ssyncadd.s32 $0xFFFFFFFF  }
0x96: {  	s17 =	sld [smem:$0x11];
	(tm) =	ssettm $0x1  }
0x97: {  	s18 =	sld [smem:$0x3FFB];
	_ =	sdelay $0x3  }
0x98: {  	_ =	strace s18  }
0x99: {  	s4 =	sld [smem:$0x3FFC];
	_ =	sdelay $0x3  }
0x9a: {  	_ =	strace s4  }
0x9b: {  	s4 =	sld [smem:$0x3FFD];
	_ =	sdelay $0x3  }
0x9c: {  	_ =	strace s4  }
0x9d: {  	_ =	strace $0x8FFFFFFF  }
0x9e: {  	s19 =	sld [smem:$0x3FDB];
	_ =	sdelay $0x1  }
0x9f: {  	s5 =	simm.s32 $_scs_section_size  }
0xa0: {  	s6 =	simm.s32 $_size__tile_overlayer_lowered;
	s7 =	simm.s32 $_tile_overlayer_lowered  }
0xa1: {  	s22 =	simm.s32 $0x1BFF;
	s21 =	sshll.u32 s7, $0x1;
	s4 =	sadd.s32 s5, s19  }
0xa2: {  	s8 =	simm.s32 $0x0;
	s20 =	sshll.u32 s6, $0x1;
	s6 =	sadd.s32 s21, s4  }
0xa3: {  	[timem:s8], [sflag:s22] =	dma.local [hbm:s6], s20  }
0xa4: {  	_ =	swait.ge [sflag:s22], s20  }
0xa5: {  	s5 =	ssub.s32 $0x0, s20;
	[sflag:s22] =	ssyncset.done $0x0  }
0xa6: {  	[sflag:s22] =	ssyncadd.s32 s5;
	_ =	sdelay $0x1  }
0xa7: {  	s23 =	simm.s32 $0x1B8B  }
0xa8: {  	_ =	swait.ge [sflag:s23], $0x1  }
0xa9: {  	[sflag:s23] =	ssyncset.done $0x0  }
0xaa: {  	s25 =	simm.s32 $0x1B8E;
	s24 =	sld [smem:$0x3FFE];
	[sflag:s23] =	ssyncadd.s32 $0xFFFFFFFF  }
0xab: {  	s26 =	simm.s32 $execute0_lowered;
	[smem:$0x3FD2] =	sst s25  }
0xac: {  	s6 =	sshll.u32 s26, $0x1;
	_ =	strace $0x80000046;
	[dreg:$0x1] =	wrdreg $0xFFFFFFFF  }
0xad: {  	s28 =	simm.s32 $_size_execute0_lowered;
	s4 =	sadd.s32 s4, s6;
	[dreg:$0x0] =	wrdreg $0x0  }
0xae: {  	s6 =	sshll.u32 s28, $0x1;
	[dreg:$0x2] =	wrdreg s4  }
0xaf: {  	[dreg:$0x3] =	wrdreg s6  }
0xb0: {  	[dreg:$0x4] =	wrdreg $0xC0  }
0xb1: {  	_ =	task [dreg:s8], $0x5FFFF  }
0xb2: {  	[dreg:$0x1] =	wrdreg $0xFFFFFFFF  }
0xb3: {  	[dreg:$0x0] =	wrdreg $0x60  }
0xb4: {  	[dreg:$0x2] =	wrdreg s24  }
0xb5: {  	[dreg:$0x3] =	wrdreg s16  }
0xb6: {  	[dreg:$0x4] =	wrdreg s17  }
0xb7: {  	[dreg:$0x5] =	wrdreg $0x9  }
0xb8: {  	_ =	task.clear_ibuf [dreg:s8], $0x6FFFF;
	_ =	strace $0x90000046  }
0xb9: {  	s29 =	simm.s32 $0x9;
	_ =	strace $0x80000048  }
0xba: {  	_ =	swait.ge [sflag:s29], $0x1  }
0xbb: {  	[sflag:s29] =	ssyncadd.s32 $0xFFFFFFFF  }
0xbc: {  	_ =	strace $0x90000048  }
0xbd: {  	_ =	sfence  }
0xbe: {  	s30 =	sld [smem:$0x0];
	_ =	sdelay $0x2  }
0xbf: {  	s31 =	sshll.u32 s1, $0xD;
	s1 =	sshrl.u32 s1, $0x2  }
0xc0: {  	s3 =	sand.u32 $0x4000, s31;
	s1 =	sadd.s32 s1, s30  }
0xc1: {  	s0 =	sor.u32 s3, s0;
	s1 =	sshll.u32 s1, $0x11  }
0xc2: {  	s0 =	sor.u32 s1, s0  }
0xc3: {  	s0 =	sadd.s32 $0x8F2B, s0  }
0xc4: {  	[sflag:s0] =	ssyncadd.remote.s32 $0x1  }
0xc5: {  	_ =	sfence.sel $0xFFFF  }
0xc6: {  	[dreg:$0x0] =	wrdreg $0xFFFFFFFF;
	(pc) =	sbr.abs _section_cstart, $3  }
0xc7: {  	[dreg:$0x1] =	wrdreg $0xFFFFFFFF  }
0xc8: {  	_ =	task.clear_ibuf [dreg:s8], $0x2FFFF;
	_ =	strace $0x9FFFFFFF  }
0xc9: {  	(tm) =	ssettm $0x7FFFFFFF  }
tec
execute0_lowered:
.L_overlay_start_1:
0x0: {  	(tag) =	ssettag $0x1  }
0x1: {  	s7 =	rddreg [dreg:$0x0];
	s1 =	srdreg.scid  }
0x2: {  	s20 =	rddreg [dreg:$0x1];
	s0 =	stileid.u32;
	s22 =	sand.u32 $0x1, s1  }
0x3: {  	s21 =	rddreg [dreg:$0x2];
	s3 =	sshll.u32 s0, $0xB;
	s4 =	sshll.u32 s22, $0xA  }
0x4: {  	s2 =	simm.s32 $0x0;
	s1 =	rddreg [dreg:$0x3];
	s23 =	sor.u32 s4, s3  }
0x5: {  	[smem:$0x7FF] =	sst s2;
	s19 =	sadd.s32 $0xC00, s7;
	s3 =	sshrl.u32 s23, $0x3  }
0x6: {  	_ =	strace $0x80000047;
	s4 =	sadd.s32 s19, s3;
	s3 =	simm.s32 $0x3  }
0x7: {  	[tilespmem:s2], [sflag:$0x3] =	stream.linear.gather [hbm4b:s4+s2], $0x100, $0x38;
	[tilespmem:$0x10100] =	vst v63  }
0x8: {  	_ =	swait.ge [sflag:s3], $0x100  }
0x9: {  	[sflag:s3] =	ssyncset.done $0x0  }
0xa: {  	s6 =	simm.s32 $0x100;
	s5 =	sadd.s32 $0x81C00, s7;
	[sflag:s3] =	ssyncadd.s32 $0xFFFFFF00  }
0xb: {  	[tilespmem:s6], [sflag:$0x1] =	stream.indirect.gather [hbm4b:s5+s6], $0x80, s2, s6, $0xb8;
	[tilespmem:$0x10100] =	vst v63  }
0xc: {  	s8 =	simm.s32 $0x8100;
	s9 =	simm.s32 $0x1;
	s7 =	sadd.s32 $0x1C00, s7  }
0xd: {  	[tilespmem:s8], [sflag:$0x2] =	stream.indirect.gather [hbm4b:s7+s6], $0x80, s2, s6, $0xb8;
	[tilespmem:$0x10100] =	vst v63  }
0xe: {  	_ =	swait.ge [sflag:s9], $0x8000  }
0xf: {  	[sflag:s9] =	ssyncset.done $0x0  }
0x10: {  	s10 =	simm.s32 $0x2;
	[sflag:s9] =	ssyncadd.s32 $0xFFFF8000  }
0x11: {  	_ =	swait.ge [sflag:s10], $0x8000  }
0x12: {  	s12 =	sshll.u32 s23, $0x4;
	[sflag:s10] =	ssyncset.done $0x0  }
0x13: {  	s11 =	sadd.s32 s20, s12;
	[sflag:s10] =	ssyncadd.s32 $0xFFFF8000  }
0x14: {  	[hbm4b:s11+s2] =	stream.linear.scatter [tilespmem:s6], [sflag:$0x3], $0x8000, $0x38;
	[tilespmem:$0x10100] =	vst v63  }
0x15: {  	_ =	swait.ge [sflag:s3], $0x8000  }
0x16: {  	[sflag:s3] =	ssyncset.done $0x0  }
0x17: {  	s12 =	sadd.s32 s21, s12;
	[sflag:s3] =	ssyncadd.s32 $0xFFFF8000  }
0x18: {  	[hbm4b:s12+s2] =	stream.linear.scatter [tilespmem:s8], [sflag:$0x3], $0x8000, $0x38;
	[tilespmem:$0x10100] =	vst v63  }
0x19: {  	s14 =	sor.u32 $0x100, s23;
	_ =	swait.ge [sflag:s3], $0x8000  }
0x1a: {  	s13 =	sshrl.u32 s14, $0x3;
	[sflag:s3] =	ssyncset.done $0x0  }
0x1b: {  	s13 =	sadd.s32 s19, s13;
	[sflag:s3] =	ssyncadd.s32 $0xFFFF8000  }
0x1c: {  	[tilespmem:s2], [sflag:$0x3] =	stream.linear.gather [hbm4b:s13+s2], $0x100, $0x38;
	[tilespmem:$0x10100] =	vst v63  }
0x1d: {  	_ =	swait.ge [sflag:s3], $0x100  }
0x1e: {  	[sflag:s3] =	ssyncset.done $0x0  }
0x1f: {  	[sflag:s3] =	ssyncadd.s32 $0xFFFFFF00  }
0x20: {  	[tilespmem:s6], [sflag:$0x1] =	stream.indirect.gather [hbm4b:s5+s6], $0x80, s2, s6, $0xb8;
	[tilespmem:$0x10100] =	vst v63  }
0x21: {  	_ = 	snop  }
0x22: {  	[tilespmem:s8], [sflag:$0x2] =	stream.indirect.gather [hbm4b:s7+s6], $0x80, s2, s6, $0xb8;
	[tilespmem:$0x10100] =	vst v63  }
0x23: {  	_ =	swait.ge [sflag:s9], $0x8000  }
0x24: {  	[sflag:s9] =	ssyncset.done $0x0  }
0x25: {  	[sflag:s9] =	ssyncadd.s32 $0xFFFF8000  }
0x26: {  	_ =	swait.ge [sflag:s10], $0x8000  }
0x27: {  	s15 =	sshll.u32 s14, $0x4;
	[sflag:s10] =	ssyncset.done $0x0  }
0x28: {  	s14 =	sadd.s32 s20, s15;
	[sflag:s10] =	ssyncadd.s32 $0xFFFF8000  }
0x29: {  	[hbm4b:s14+s2] =	stream.linear.scatter [tilespmem:s6], [sflag:$0x3], $0x8000, $0x38;
	[tilespmem:$0x10100] =	vst v63  }
0x2a: {  	_ =	swait.ge [sflag:s3], $0x8000  }
0x2b: {  	[sflag:s3] =	ssyncset.done $0x0  }
0x2c: {  	s15 =	sadd.s32 s21, s15;
	[sflag:s3] =	ssyncadd.s32 $0xFFFF8000  }
0x2d: {  	[hbm4b:s15+s2] =	stream.linear.scatter [tilespmem:s8], [sflag:$0x3], $0x8000, $0x38;
	[tilespmem:$0x10100] =	vst v63  }
0x2e: {  	s17 =	sor.u32 $0x200, s23;
	_ =	swait.ge [sflag:s3], $0x8000  }
0x2f: {  	s16 =	sshrl.u32 s17, $0x3;
	[sflag:s3] =	ssyncset.done $0x0  }
0x30: {  	s16 =	sadd.s32 s19, s16;
	[sflag:s3] =	ssyncadd.s32 $0xFFFF8000  }
0x31: {  	[tilespmem:s2], [sflag:$0x3] =	stream.linear.gather [hbm4b:s16+s2], $0x100, $0x38;
	[tilespmem:$0x10100] =	vst v63  }
0x32: {  	_ =	swait.ge [sflag:s3], $0x100  }
0x33: {  	[sflag:s3] =	ssyncset.done $0x0  }
0x34: {  	[sflag:s3] =	ssyncadd.s32 $0xFFFFFF00  }
0x35: {  	[tilespmem:s6], [sflag:$0x1] =	stream.indirect.gather [hbm4b:s5+s6], $0x80, s2, s6, $0xb8;
	[tilespmem:$0x10100] =	vst v63  }
0x36: {  	_ = 	snop  }
0x37: {  	[tilespmem:s8], [sflag:$0x2] =	stream.indirect.gather [hbm4b:s7+s6], $0x80, s2, s6, $0xb8;
	[tilespmem:$0x10100] =	vst v63  }
0x38: {  	_ =	swait.ge [sflag:s9], $0x8000  }
0x39: {  	[sflag:s9] =	ssyncset.done $0x0  }
0x3a: {  	[sflag:s9] =	ssyncadd.s32 $0xFFFF8000  }
0x3b: {  	_ =	swait.ge [sflag:s10], $0x8000  }
0x3c: {  	s18 =	sshll.u32 s17, $0x4;
	[sflag:s10] =	ssyncset.done $0x0  }
0x3d: {  	s17 =	sadd.s32 s20, s18;
	[sflag:s10] =	ssyncadd.s32 $0xFFFF8000  }
0x3e: {  	[hbm4b:s17+s2] =	stream.linear.scatter [tilespmem:s6], [sflag:$0x3], $0x8000, $0x38;
	[tilespmem:$0x10100] =	vst v63  }
0x3f: {  	_ =	swait.ge [sflag:s3], $0x8000  }
0x40: {  	[sflag:s3] =	ssyncset.done $0x0  }
0x41: {  	s18 =	sadd.s32 s21, s18;
	[sflag:s3] =	ssyncadd.s32 $0xFFFF8000  }
0x42: {  	[hbm4b:s18+s2] =	stream.linear.scatter [tilespmem:s8], [sflag:$0x3], $0x8000, $0x38;
	[tilespmem:$0x10100] =	vst v63  }
0x43: {  	s23 =	sor.u32 $0x300, s23;
	_ =	swait.ge [sflag:s3], $0x8000  }
0x44: {  	s24 =	sshrl.u32 s23, $0x3;
	[sflag:s3] =	ssyncset.done $0x0  }
0x45: {  	s19 =	sadd.s32 s19, s24;
	[sflag:s3] =	ssyncadd.s32 $0xFFFF8000  }
0x46: {  	[tilespmem:s2], [sflag:$0x3] =	stream.linear.gather [hbm4b:s19+s2], $0x100, $0x38;
	[tilespmem:$0x10100] =	vst v63  }
0x47: {  	_ =	swait.ge [sflag:s3], $0x100  }
0x48: {  	[sflag:s3] =	ssyncset.done $0x0  }
0x49: {  	[sflag:s3] =	ssyncadd.s32 $0xFFFFFF00  }
0x4a: {  	[tilespmem:s6], [sflag:$0x1] =	stream.indirect.gather [hbm4b:s5+s6], $0x80, s2, s6, $0xb8;
	[tilespmem:$0x10100] =	vst v63  }
0x4b: {  	_ = 	snop  }
0x4c: {  	[tilespmem:s8], [sflag:$0x2] =	stream.indirect.gather [hbm4b:s7+s6], $0x80, s2, s6, $0xb8;
	[tilespmem:$0x10100] =	vst v63  }
0x4d: {  	_ =	swait.ge [sflag:s9], $0x8000  }
0x4e: {  	[sflag:s9] =	ssyncset.done $0x0  }
0x4f: {  	s22 =	ssub.s32 $0x2, s22;
	[sflag:s9] =	ssyncadd.s32 $0xFFFF8000  }
0x50: {  	s31 =	sshrl.u32 s22, $0x1;
	_ =	swait.ge [sflag:s10], $0x8000  }
0x51: {  	s22 =	ssub.s32 s22, s31;
	s23 =	sshll.u32 s23, $0x4;
	[sflag:s10] =	ssyncset.done $0x0  }
0x52: {  	s22 =	smax.u32 s22, $0x1;
	s20 =	sadd.s32 s20, s23;
	[sflag:s10] =	ssyncadd.s32 $0xFFFF8000  }
0x53: {  	[hbm4b:s20+s2] =	stream.linear.scatter [tilespmem:s6], [sflag:$0x3], $0x8000, $0x38;
	[tilespmem:$0x10100] =	vst v63  }
0x54: {  	p0 =	sne.s32 s22, $0x1;
	_ =	swait.ge [sflag:s3], $0x8000  }
.Ltmp0:
0x55: {  	[sflag:s3] =	ssyncset.done $0x0;
	(pc) =	sbr.rel @!p0 .LBB2_2-.Ltmp0, $4  }
0x56: {  	s21 =	sadd.s32 s21, s23;
	[sflag:s3] =	ssyncadd.s32 $0xFFFF8000  }
0x57: {  	[hbm4b:s21+s2] =	stream.linear.scatter [tilespmem:s8], [sflag:$0x3], $0x8000, $0x38;
	[tilespmem:$0x10100] =	vst v63  }
0x58: {  	_ =	swait.ge [sflag:s3], $0x8000  }
0x59: {  	s22 =	sadd.s32 $0xFFFFFFFF, s22;
	[sflag:s3] =	ssyncset.done $0x0  }
.LBB2_1:
0x5a: {  	p0 =	sne.s32 s22, $0x1;
	s22 =	sadd.s32 $0xFFFFFFFF, s22;
	[sflag:s3] =	ssyncadd.s32 $0xFFFF8000  }
0x5b: {  	[tilespmem:s2], [sflag:$0x3] =	stream.linear.gather [hbm4b:s4+s2], $0x100, $0x38;
	[tilespmem:$0x10100] =	vst v63  }
0x5c: {  	_ =	swait.ge [sflag:s3], $0x100  }
0x5d: {  	[sflag:s3] =	ssyncset.done $0x0  }
0x5e: {  	[sflag:s3] =	ssyncadd.s32 $0xFFFFFF00  }
0x5f: {  	[tilespmem:s6], [sflag:$0x1] =	stream.indirect.gather [hbm4b:s5+s6], $0x80, s2, s6, $0xb8;
	[tilespmem:$0x10100] =	vst v63  }
0x60: {  	_ = 	snop  }
0x61: {  	[tilespmem:s8], [sflag:$0x2] =	stream.indirect.gather [hbm4b:s7+s6], $0x80, s2, s6, $0xb8;
	[tilespmem:$0x10100] =	vst v63  }
0x62: {  	_ =	swait.ge [sflag:s9], $0x8000  }
0x63: {  	[sflag:s9] =	ssyncset.done $0x0  }
0x64: {  	[sflag:s9] =	ssyncadd.s32 $0xFFFF8000  }
0x65: {  	_ =	swait.ge [sflag:s10], $0x8000  }
0x66: {  	[sflag:s10] =	ssyncset.done $0x0  }
0x67: {  	[sflag:s10] =	ssyncadd.s32 $0xFFFF8000  }
0x68: {  	[hbm4b:s11+s2] =	stream.linear.scatter [tilespmem:s6], [sflag:$0x3], $0x8000, $0x38;
	[tilespmem:$0x10100] =	vst v63  }
0x69: {  	_ =	swait.ge [sflag:s3], $0x8000  }
0x6a: {  	[sflag:s3] =	ssyncset.done $0x0  }
0x6b: {  	[sflag:s3] =	ssyncadd.s32 $0xFFFF8000  }
0x6c: {  	[hbm4b:s12+s2] =	stream.linear.scatter [tilespmem:s8], [sflag:$0x3], $0x8000, $0x38;
	[tilespmem:$0x10100] =	vst v63  }
0x6d: {  	_ =	swait.ge [sflag:s3], $0x8000  }
0x6e: {  	[sflag:s3] =	ssyncset.done $0x0  }
0x6f: {  	[sflag:s3] =	ssyncadd.s32 $0xFFFF8000  }
0x70: {  	[tilespmem:s2], [sflag:$0x3] =	stream.linear.gather [hbm4b:s13+s2], $0x100, $0x38;
	[tilespmem:$0x10100] =	vst v63  }
0x71: {  	_ =	swait.ge [sflag:s3], $0x100  }
0x72: {  	[sflag:s3] =	ssyncset.done $0x0  }
0x73: {  	[sflag:s3] =	ssyncadd.s32 $0xFFFFFF00  }
0x74: {  	[tilespmem:s6], [sflag:$0x1] =	stream.indirect.gather [hbm4b:s5+s6], $0x80, s2, s6, $0xb8;
	[tilespmem:$0x10100] =	vst v63  }
0x75: {  	_ = 	snop  }
0x76: {  	[tilespmem:s8], [sflag:$0x2] =	stream.indirect.gather [hbm4b:s7+s6], $0x80, s2, s6, $0xb8;
	[tilespmem:$0x10100] =	vst v63  }
0x77: {  	_ =	swait.ge [sflag:s9], $0x8000  }
0x78: {  	[sflag:s9] =	ssyncset.done $0x0  }
0x79: {  	[sflag:s9] =	ssyncadd.s32 $0xFFFF8000  }
0x7a: {  	_ =	swait.ge [sflag:s10], $0x8000  }
0x7b: {  	[sflag:s10] =	ssyncset.done $0x0  }
0x7c: {  	[sflag:s10] =	ssyncadd.s32 $0xFFFF8000  }
0x7d: {  	[hbm4b:s14+s2] =	stream.linear.scatter [tilespmem:s6], [sflag:$0x3], $0x8000, $0x38;
	[tilespmem:$0x10100] =	vst v63  }
0x7e: {  	_ =	swait.ge [sflag:s3], $0x8000  }
0x7f: {  	[sflag:s3] =	ssyncset.done $0x0  }
0x80: {  	[sflag:s3] =	ssyncadd.s32 $0xFFFF8000  }
0x81: {  	[hbm4b:s15+s2] =	stream.linear.scatter [tilespmem:s8], [sflag:$0x3], $0x8000, $0x38;
	[tilespmem:$0x10100] =	vst v63  }
0x82: {  	_ =	swait.ge [sflag:s3], $0x8000  }
0x83: {  	[sflag:s3] =	ssyncset.done $0x0  }
0x84: {  	[sflag:s3] =	ssyncadd.s32 $0xFFFF8000  }
0x85: {  	[tilespmem:s2], [sflag:$0x3] =	stream.linear.gather [hbm4b:s16+s2], $0x100, $0x38;
	[tilespmem:$0x10100] =	vst v63  }
0x86: {  	_ =	swait.ge [sflag:s3], $0x100  }
0x87: {  	[sflag:s3] =	ssyncset.done $0x0  }
0x88: {  	[sflag:s3] =	ssyncadd.s32 $0xFFFFFF00  }
0x89: {  	[tilespmem:s6], [sflag:$0x1] =	stream.indirect.gather [hbm4b:s5+s6], $0x80, s2, s6, $0xb8;
	[tilespmem:$0x10100] =	vst v63  }
0x8a: {  	_ = 	snop  }
0x8b: {  	[tilespmem:s8], [sflag:$0x2] =	stream.indirect.gather [hbm4b:s7+s6], $0x80, s2, s6, $0xb8;
	[tilespmem:$0x10100] =	vst v63  }
0x8c: {  	_ =	swait.ge [sflag:s9], $0x8000  }
0x8d: {  	[sflag:s9] =	ssyncset.done $0x0  }
0x8e: {  	[sflag:s9] =	ssyncadd.s32 $0xFFFF8000  }
0x8f: {  	_ =	swait.ge [sflag:s10], $0x8000  }
0x90: {  	[sflag:s10] =	ssyncset.done $0x0  }
0x91: {  	[sflag:s10] =	ssyncadd.s32 $0xFFFF8000  }
0x92: {  	[hbm4b:s17+s2] =	stream.linear.scatter [tilespmem:s6], [sflag:$0x3], $0x8000, $0x38;
	[tilespmem:$0x10100] =	vst v63  }
0x93: {  	_ =	swait.ge [sflag:s3], $0x8000  }
0x94: {  	[sflag:s3] =	ssyncset.done $0x0  }
0x95: {  	[sflag:s3] =	ssyncadd.s32 $0xFFFF8000  }
0x96: {  	[hbm4b:s18+s2] =	stream.linear.scatter [tilespmem:s8], [sflag:$0x3], $0x8000, $0x38;
	[tilespmem:$0x10100] =	vst v63  }
0x97: {  	_ =	swait.ge [sflag:s3], $0x8000  }
0x98: {  	[sflag:s3] =	ssyncset.done $0x0  }
0x99: {  	[sflag:s3] =	ssyncadd.s32 $0xFFFF8000  }
0x9a: {  	[tilespmem:s2], [sflag:$0x3] =	stream.linear.gather [hbm4b:s19+s2], $0x100, $0x38;
	[tilespmem:$0x10100] =	vst v63  }
0x9b: {  	_ =	swait.ge [sflag:s3], $0x100  }
0x9c: {  	[sflag:s3] =	ssyncset.done $0x0  }
0x9d: {  	[sflag:s3] =	ssyncadd.s32 $0xFFFFFF00  }
0x9e: {  	[tilespmem:s6], [sflag:$0x1] =	stream.indirect.gather [hbm4b:s5+s6], $0x80, s2, s6, $0xb8;
	[tilespmem:$0x10100] =	vst v63  }
0x9f: {  	_ = 	snop  }
0xa0: {  	[tilespmem:s8], [sflag:$0x2] =	stream.indirect.gather [hbm4b:s7+s6], $0x80, s2, s6, $0xb8;
	[tilespmem:$0x10100] =	vst v63  }
0xa1: {  	_ =	swait.ge [sflag:s9], $0x8000  }
0xa2: {  	[sflag:s9] =	ssyncset.done $0x0  }
0xa3: {  	[sflag:s9] =	ssyncadd.s32 $0xFFFF8000  }
0xa4: {  	_ =	swait.ge [sflag:s10], $0x8000  }
0xa5: {  	[sflag:s10] =	ssyncset.done $0x0  }
0xa6: {  	[sflag:s10] =	ssyncadd.s32 $0xFFFF8000  }
0xa7: {  	[hbm4b:s20+s2] =	stream.linear.scatter [tilespmem:s6], [sflag:$0x3], $0x8000, $0x38;
	[tilespmem:$0x10100] =	vst v63  }
0xa8: {  	_ =	swait.ge [sflag:s3], $0x8000  }
.Ltmp1:
0xa9: {  	[sflag:s3] =	ssyncset.done $0x0;
	(pc) =	sbr.rel @p0 .LBB2_1-.Ltmp1, $4  }
0xaa: {  	[sflag:s3] =	ssyncadd.s32 $0xFFFF8000  }
0xab: {  	[hbm4b:s21+s2] =	stream.linear.scatter [tilespmem:s8], [sflag:$0x3], $0x8000, $0x38;
	[tilespmem:$0x10100] =	vst v63  }
0xac: {  	_ =	swait.ge [sflag:s3], $0x8000  }
0xad: {  	[sflag:s3] =	ssyncset.done $0x0  }
.LBB2_2:
0xae: {  	[sflag:s3] =	ssyncadd.s32 $0xFFFF8000  }
0xaf: {  	_ =	sfence.sel $0x180000  }
0xb0: {  	[bflag:$0x0] =	sbarrier.arrive $0xFFFF  }
0xb1: {  	p0 =	sne.s32 s0, $0x0;
	_ =	strace $0x90000047  }
0xb2: {  	s0 =	sadd.s32 @!p0 $0x100000, s1;
	[bflag:$0x2] =	sbarrier.arrive $0xFFFF  }
0xb3: {  	[sflag:s0] =	ssyncadd.tile.s32 @!p0 $0x1;
	_ =	shalt  }
.Lfunc_end2:
_tile_overlayer_lowered:
.L_overlay_start_2:
0xb4: {  	(tag) =	ssettag $0x2  }
0xb5: {  	s0 =	rddreg [dreg:$0x0];
	s2 =	stileid.u32  }
0xb6: {  	s1 =	rddreg [dreg:$0x1];
	p0 =	sne.s32 s2, $0x0  }
0xb7: {  	s3 =	rddreg [dreg:$0x2];
	[bflag:$0x3] =	sbarrier.arrive $0xFFFF;
	s2 =	simm.s32 @!p0 $0x1C03  }
0xb8: {  	[timem:s3], [sflag:s2] =	dma.local @!p0 [hbm:s0], s1  }
0xb9: {  	s0 =	simm.s32 @!p0 $0x3  }
0xba: {  	_ =	swait.ge @!p0 [sflag:s0], s1  }
0xbb: {  	s1 =	ssub.s32 @!p0 $0x0, s1;
	[sflag:s0] =	ssyncset.done @!p0 $0x0  }
0xbc: {  	[sflag:s0] =	ssyncadd.s32 @!p0 s1  }
0xbd: {  	[bflag:$0x3] =	sbarrier.arrive $0xFFFF  }
0xbe: {  	_ =	shalt  }

</sc_bundles>
